<compile_context>
chip_gen: v7x
topology: tpu7x:2x2x1
jax: 0.10.2.dev20260603
libtpu: 0.0.44.dev20260713+nightly
codegen_flags: <defaults>
</compile_context>

<pallas_src>
import functools

import jax
import jax.numpy as jnp
from jax import lax
from jax.experimental import pallas as pl
from jax.experimental.pallas import tpu as pltpu
from jax.experimental.pallas import tpu_sc as plsc

D_MODEL = 1024
D_FF = 4096
N_EXPERTS = 8
TOP_K = 2
BM = 256
BF = 2048
BFS = 512

_SC_CORES = 2
_SC_SUBCORES = 16
_SC_WORKERS = _SC_CORES * _SC_SUBCORES


def _make_sc_row_gather(n_rows, n_out, d):
    rpw = n_out // _SC_WORKERS
    chunk = rpw
    while chunk * d * 4 > 384 * 1024:
        chunk //= 2
    nch = rpw // chunk
    mesh = plsc.VectorSubcoreMesh(core_axis_name="c", subcore_axis_name="s")

    @functools.partial(
        pl.kernel,
        mesh=mesh,
        out_type=jax.ShapeDtypeStruct((n_out, d), jnp.float32),
        scratch_types=[
            pltpu.VMEM((chunk,), jnp.int32),
            pltpu.VMEM((chunk, d), jnp.float32),
            pltpu.SemaphoreType.DMA,
        ],
    )
    def gather_k(table_hbm, idx_hbm, out_hbm, idx_v, rows_v, sem):
        wid = lax.axis_index("s") * _SC_CORES + lax.axis_index("c")
        base0 = wid * rpw
        for c in range(nch):
            base = base0 + c * chunk
            pltpu.sync_copy(idx_hbm.at[pl.ds(base, chunk)], idx_v)
            pltpu.async_copy(table_hbm.at[idx_v], rows_v, sem).wait()
            pltpu.sync_copy(rows_v, out_hbm.at[pl.ds(base, chunk)])

    return gather_k


def _routed_kernel(emap_ref, meta_ref, x_ref, wg_ref, wu_ref, wd_ref,
                   out_ref, xg_ref):
    i = pl.program_id(0)
    j = pl.program_id(1)

    @pl.when(j == 0)
    def _gather():
        rowf = (jax.lax.broadcasted_iota(jnp.int32, (BM, 1), 0)
                + i * BM).astype(jnp.float32)
        m = meta_ref[...]
        oh = (jnp.where(m[0:1, :] == rowf, m[2:3, :], 0.0)
              + jnp.where(m[1:2, :] == rowf, m[3:4, :], 0.0)
              ).astype(jnp.bfloat16)
        xg_ref[...] = jnp.dot(
            oh, x_ref[...], preferred_element_type=jnp.float32
        ).astype(jnp.bfloat16)

    xb = xg_ref[...]
    g = jnp.dot(xb, wg_ref[0], preferred_element_type=jnp.float32)
    u = jnp.dot(xb, wu_ref[0], preferred_element_type=jnp.float32)
    h = (g * jax.nn.sigmoid(g) * u).astype(jnp.bfloat16)

    @pl.when(j == 0)
    def _():
        out_ref[...] = jnp.zeros_like(out_ref)

    out_ref[...] += jnp.dot(h, wd_ref[0], preferred_element_type=jnp.float32)


def _shared_kernel(x_ref, wg_ref, wu_ref, wd_ref, out_ref):
    j = pl.program_id(0)
    x = x_ref[...]
    g = jnp.dot(x, wg_ref[...], preferred_element_type=jnp.float32)
    u = jnp.dot(x, wu_ref[...], preferred_element_type=jnp.float32)
    h = (g * jax.nn.sigmoid(g) * u).astype(jnp.bfloat16)

    @pl.when(j == 0)
    def _():
        out_ref[...] = jnp.zeros_like(out_ref)

    out_ref[...] += jnp.dot(h, wd_ref[...], preferred_element_type=jnp.float32)


def _add3_kernel(a_ref, b_ref, out_ref):
    d = a_ref.shape[1]
    out_ref[...] = a_ref[...] + b_ref[:, :d] + b_ref[:, d:]


def kernel(hidden_states, router_w, w_gate, w_up, w_down, sw_gate, sw_up,
           sw_down):
    b, s, d = hidden_states.shape
    t = b * s
    x = hidden_states.reshape(t, d)

    router_logits = x.astype(jnp.float32) @ router_w.astype(jnp.float32)
    affinities = jax.nn.sigmoid(router_logits)
    top_vals, top_idx = jax.lax.top_k(affinities, TOP_K)

    n_pairs = t * TOP_K
    ep = top_idx.reshape(n_pairs)
    pv = top_vals.reshape(n_pairs)
    onehot = (ep[:, None] == jnp.arange(N_EXPERTS)[None, :]).astype(jnp.float32)
    ch = 128
    ncha = n_pairs // ch
    oh3 = onehot.reshape(ncha, ch, N_EXPERTS)
    r_i = jnp.arange(ch)
    tri_inc = (r_i[:, None] >= r_i[None, :]).astype(jnp.float32)
    within = jnp.einsum('rc,kce->kre', tri_inc, oh3,
                        preferred_element_type=jnp.float32)
    chunk_tot = within[:, -1, :]
    r_k = jnp.arange(ncha)
    tri_exc = (r_k[:, None] > r_k[None, :]).astype(jnp.float32)
    chunk_pre = jnp.einsum('kc,ce->ke', tri_exc, chunk_tot,
                           preferred_element_type=jnp.float32)
    csum3 = within + chunk_pre[:, None, :]
    rank = jnp.sum(oh3 * csum3, axis=-1).reshape(n_pairs) - 1.0
    counts = jnp.sum(onehot, axis=0).astype(jnp.int32)
    padded = ((counts + BM - 1) // BM) * BM
    seg_start = jnp.concatenate([jnp.zeros((1,), jnp.int32),
                                 jnp.cumsum(padded)[:-1].astype(jnp.int32)])
    slot_f = (jnp.sum(onehot * seg_start[None, :].astype(jnp.float32), axis=1)
              + rank)
    slot = slot_f.astype(jnp.int32)
    n_slots = n_pairs + N_EXPERTS * BM
    nt = n_slots // BM
    tile_base = jnp.arange(nt, dtype=jnp.int32) * BM
    seg_end = seg_start + padded
    emap = jnp.sum((tile_base[:, None] >= seg_end[None, :]).astype(jnp.int32),
                   axis=1)
    emap = jnp.minimum(emap, N_EXPERTS - 1)
    meta2 = jnp.concatenate(
        [slot_f.reshape(t, TOP_K).T, top_vals.T], axis=0)

    wg16 = w_gate.astype(jnp.bfloat16)
    wu16 = w_up.astype(jnp.bfloat16)
    wd16 = w_down.astype(jnp.bfloat16)
    nj = D_FF // BF
    y_routed = pl.pallas_call(
        _routed_kernel,
        grid_spec=pltpu.PrefetchScalarGridSpec(
            num_scalar_prefetch=1,
            grid=(nt, nj),
            in_specs=[
                pl.BlockSpec((4, t), lambda i, j, em: (0, 0)),
                pl.BlockSpec((t, d), lambda i, j, em: (0, 0)),
                pl.BlockSpec((1, d, BF), lambda i, j, em: (em[i], 0, j)),
                pl.BlockSpec((1, d, BF), lambda i, j, em: (em[i], 0, j)),
                pl.BlockSpec((1, BF, d), lambda i, j, em: (em[i], j, 0)),
            ],
            out_specs=pl.BlockSpec((BM, d), lambda i, j, em: (i, 0)),
            scratch_shapes=[pltpu.VMEM((BM, d), jnp.bfloat16)],
        ),
        out_shape=jax.ShapeDtypeStruct((n_slots, d), jnp.float32),
        compiler_params=pltpu.CompilerParams(
            dimension_semantics=("arbitrary", "arbitrary"),
        ),
    )(emap, meta2, x.astype(jnp.bfloat16), wg16, wu16, wd16)

    gcat = _make_sc_row_gather(n_slots, 2 * t, d)(y_routed, slot)

    njs = D_FF // BFS
    ys = pl.pallas_call(
        _shared_kernel,
        grid=(njs,),
        in_specs=[
            pl.BlockSpec((t, d), lambda j: (0, 0)),
            pl.BlockSpec((d, BFS), lambda j: (0, j)),
            pl.BlockSpec((d, BFS), lambda j: (0, j)),
            pl.BlockSpec((BFS, d), lambda j: (j, 0)),
        ],
        out_specs=pl.BlockSpec((t, d), lambda j: (0, 0)),
        out_shape=jax.ShapeDtypeStruct((t, d), jnp.float32),
        compiler_params=pltpu.CompilerParams(
            dimension_semantics=("arbitrary",),
        ),
    )(x.astype(jnp.bfloat16), sw_gate.astype(jnp.bfloat16),
      sw_up.astype(jnp.bfloat16), sw_down.astype(jnp.bfloat16))

    brow = 512
    gcat2 = gcat.reshape(t, TOP_K * d)
    out = pl.pallas_call(
        _add3_kernel,
        grid=(t // brow,),
        in_specs=[
            pl.BlockSpec((brow, d), lambda i: (i, 0)),
            pl.BlockSpec((brow, TOP_K * d), lambda i: (i, 0)),
        ],
        out_specs=pl.BlockSpec((brow, d), lambda i: (i, 0)),
        out_shape=jax.ShapeDtypeStruct((t, d), jnp.float32),
    )(ys, gcat2)

    return out.reshape(b, s, d)

# --- scband reference (transcript-rebuilt; emitter-appended) ---
"""Pipeline reference for scband-neuron-mo-edecoder-layer-40450001994264 (READ-ONLY COPY).

The authoritative reference and input builder live on the scoring server;
editing this copy changes nothing except your own understanding.
"""

import jax, jax.numpy as jnp
import numpy as np

D_MODEL = 1024
D_FF = 4096
N_EXPERTS = 8
TOP_K = 2
BATCH = 1
SEQ = 2048


def setup_inputs(seed: int = 0) -> dict:
    key = jax.random.key(seed)
    ks = jax.random.split(key, 10)
    hidden_states = jax.random.normal(ks[0], (BATCH, SEQ, D_MODEL), dtype=jnp.float32)
    router_w = jax.random.normal(ks[1], (D_MODEL, N_EXPERTS), dtype=jnp.float32) * 0.02
    w_gate = jax.random.normal(ks[2], (N_EXPERTS, D_MODEL, D_FF), dtype=jnp.float32) * 0.02
    w_up = jax.random.normal(ks[3], (N_EXPERTS, D_MODEL, D_FF), dtype=jnp.float32) * 0.02
    w_down = jax.random.normal(ks[4], (N_EXPERTS, D_FF, D_MODEL), dtype=jnp.float32) * 0.02
    sw_gate = jax.random.normal(ks[5], (D_MODEL, D_FF), dtype=jnp.float32) * 0.02
    sw_up = jax.random.normal(ks[6], (D_MODEL, D_FF), dtype=jnp.float32) * 0.02
    sw_down = jax.random.normal(ks[7], (D_FF, D_MODEL), dtype=jnp.float32) * 0.02
    return {
        'hidden_states': hidden_states,
        'router_w': router_w,
        'w_gate': w_gate,
        'w_up': w_up,
        'w_down': w_down,
        'sw_gate': sw_gate,
        'sw_up': sw_up,
        'sw_down': sw_down,
    }


def _silu(x):
    return x * jax.nn.sigmoid(x)


def reference(hidden_states, router_w, w_gate, w_up, w_down, sw_gate, sw_up, sw_down):
    b, s, d = hidden_states.shape
    x = hidden_states.reshape(b * s, d)

    # Router: float32, sigmoid activation (per config overrides in __init__)
    router_logits = x.astype(jnp.float32) @ router_w.astype(jnp.float32)
    affinities = jax.nn.sigmoid(router_logits)  # [T, E]

    # Top-k selection, NO normalization of top-k affinities
    top_vals, top_idx = jax.lax.top_k(affinities, TOP_K)  # [T, k]

    # Shared expert (n_shared_experts=1), runs on raw hidden states
    sh = _silu(x @ sw_gate) * (x @ sw_up)
    out = sh @ sw_down

    # Routed experts with early expert affinity modulation:
    # scale the expert INPUT by the routing affinity before the MLP.
    for e in range(N_EXPERTS):
        w_e = jnp.sum(jnp.where(top_idx == e, top_vals, 0.0), axis=-1)  # [T]
        xe = x * w_e[:, None]
        h = _silu(xe @ w_gate[e]) * (xe @ w_up[e])
        ye = h @ w_down[e]
        out = out + jnp.where((w_e > 0.0)[:, None], ye, 0.0)

    return out.reshape(b, s, d)

if __name__ == "__main__":
    import jax
    _d = setup_inputs()
    print(jax.jit(kernel)(*tuple(_d.values())))

</pallas_src>

<mosaic_0001>
#map = affine_map<(d0, d1) -> (0, 0)>
#map1 = affine_map<(d0, d1) -> (0)>
module attributes {stable_mosaic.version = 14 : i64} {
  func.func @gather_k(%arg0: i32, %arg1: i32, %arg2: memref<6144x1024xf32, #tpu.memory_space<hbm>>, %arg3: memref<4096xi32, #tpu.memory_space<hbm>>, %arg4: memref<4096x1024xf32, #tpu.memory_space<hbm>>, %arg5: memref<64xi32, #tpu.memory_space<vmem>>, %arg6: memref<64x1024xf32, #tpu.memory_space<vmem>>, %arg7: memref<!tpu.dma_semaphore, #tpu.memory_space<semaphore_mem>>) attributes {dimension_semantics = [#tpu.dimension_semantics<core_parallel>, #tpu.dimension_semantics<subcore_parallel>], iteration_bounds = array<i64: 2, 16>, scalar_prefetch = 0 : i64, scratch_operands = 3 : i64, tpu.core_type = #tpu.core_type<sc_vector_subcore>, window_params = [{transform_indices = #map}, {transform_indices = #map1}, {transform_indices = #map}]} {
    %mul3A = arith.constant 2 : i32
    %mul3A_0 = arith.muli %arg1, %mul3A : i32
    %add3A = arith.addi %mul3A_0, %arg0 : i32
    %mul3A_1 = arith.constant 128 : i32
    %mul3A_2 = arith.muli %add3A, %mul3A_1 : i32
    %add3A_3 = arith.constant 0 : i32
    %add3A_4 = arith.addi %mul3A_2, %add3A_3 : i32
    "tpu.region"() ({
      %run_scoped3A = tpu.sem_alloc : memref<!tpu.dma_semaphore, #tpu.memory_space<semaphore_mem>>
      %dma_start3A_17 = tpu.memref_slice %arg3[%add3A_4] : memref<4096xi32, #tpu.memory_space<hbm>> -> memref<64xi32, #tpu.memory_space<hbm>>
      %dma_start3A_18 = tpu.memref_slice %arg3[%add3A_4] : memref<4096xi32, #tpu.memory_space<hbm>> -> memref<64xi32, #tpu.memory_space<hbm>>
      tpu.enqueue_dma source(%dma_start3A_18 : memref<64xi32, #tpu.memory_space<hbm>>) target(%arg5 : memref<64xi32, #tpu.memory_space<vmem>>) target_semaphore(%run_scoped3A : memref<!tpu.dma_semaphore, #tpu.memory_space<semaphore_mem>>)
      %dma_wait3A_19 = tpu.memref_slice %arg3[%add3A_4] : memref<4096xi32, #tpu.memory_space<hbm>> -> memref<64xi32, #tpu.memory_space<hbm>>
      %dma_wait3A_20 = tpu.memref_slice %arg3[%add3A_4] : memref<4096xi32, #tpu.memory_space<hbm>> -> memref<64xi32, #tpu.memory_space<hbm>>
      tpu.wait_dma2 semaphore(%run_scoped3A : memref<!tpu.dma_semaphore, #tpu.memory_space<semaphore_mem>>) src(%dma_wait3A_20 : memref<64xi32, #tpu.memory_space<hbm>>) dst(%arg5 : memref<64xi32, #tpu.memory_space<vmem>>)
      tpu.yield
    }) : () -> ()
    %dma_start3A = arith.constant 0 : i32
    %dma_start3A_5 = arith.constant 0 : i32
    %dma_start3A_6 = tpu.memref_slice %arg2[%dma_start3A, %dma_start3A_5] : memref<6144x1024xf32, #tpu.memory_space<hbm>> -> memref<6144x1024xf32, #tpu.memory_space<hbm>>
    tpu.enqueue_indirect_dma source(%dma_start3A_6 : memref<6144x1024xf32, #tpu.memory_space<hbm>>) target(%arg6 : memref<64x1024xf32, #tpu.memory_space<vmem>>) offsets(%arg5 : memref<64xi32, #tpu.memory_space<vmem>>) semaphore(%arg7 : memref<!tpu.dma_semaphore, #tpu.memory_space<semaphore_mem>>)
    %dma_wait3A = arith.constant 0 : i32
    %dma_wait3A_7 = arith.constant 0 : i32
    %dma_wait3A_8 = tpu.memref_slice %arg2[%dma_wait3A, %dma_wait3A_7] : memref<6144x1024xf32, #tpu.memory_space<hbm>> -> memref<6144x1024xf32, #tpu.memory_space<hbm>>
    tpu.wait_indirect_dma semaphore(%arg7 : memref<!tpu.dma_semaphore, #tpu.memory_space<semaphore_mem>>) src(%dma_wait3A_8 : memref<6144x1024xf32, #tpu.memory_space<hbm>>) dst(%arg6 : memref<64x1024xf32, #tpu.memory_space<vmem>>)
    "tpu.region"() ({
      %run_scoped3A = tpu.sem_alloc : memref<!tpu.dma_semaphore, #tpu.memory_space<semaphore_mem>>
      %dma_start3A_17 = arith.constant 0 : i32
      %dma_start3A_18 = tpu.memref_slice %arg4[%add3A_4, %dma_start3A_17] : memref<4096x1024xf32, #tpu.memory_space<hbm>> -> memref<64x1024xf32, #tpu.memory_space<hbm>>
      %dma_start3A_19 = arith.constant 0 : i32
      %dma_start3A_20 = tpu.memref_slice %arg4[%add3A_4, %dma_start3A_19] : memref<4096x1024xf32, #tpu.memory_space<hbm>> -> memref<64x1024xf32, #tpu.memory_space<hbm>>
      tpu.enqueue_dma source(%arg6 : memref<64x1024xf32, #tpu.memory_space<vmem>>) target(%dma_start3A_20 : memref<64x1024xf32, #tpu.memory_space<hbm>>) target_semaphore(%run_scoped3A : memref<!tpu.dma_semaphore, #tpu.memory_space<semaphore_mem>>)
      %dma_wait3A_21 = arith.constant 0 : i32
      %dma_wait3A_22 = tpu.memref_slice %arg4[%add3A_4, %dma_wait3A_21] : memref<4096x1024xf32, #tpu.memory_space<hbm>> -> memref<64x1024xf32, #tpu.memory_space<hbm>>
      %dma_wait3A_23 = arith.constant 0 : i32
      %dma_wait3A_24 = tpu.memref_slice %arg4[%add3A_4, %dma_wait3A_23] : memref<4096x1024xf32, #tpu.memory_space<hbm>> -> memref<64x1024xf32, #tpu.memory_space<hbm>>
      tpu.wait_dma2 semaphore(%run_scoped3A : memref<!tpu.dma_semaphore, #tpu.memory_space<semaphore_mem>>) src(%arg6 : memref<64x1024xf32, #tpu.memory_space<vmem>>) dst(%dma_wait3A_24 : memref<64x1024xf32, #tpu.memory_space<hbm>>)
      tpu.yield
    }) : () -> ()
    %add3A_9 = arith.constant 64 : i32
    %add3A_10 = arith.addi %mul3A_2, %add3A_9 : i32
    "tpu.region"() ({
      %run_scoped3A = tpu.sem_alloc : memref<!tpu.dma_semaphore, #tpu.memory_space<semaphore_mem>>
      %dma_start3A_17 = tpu.memref_slice %arg3[%add3A_10] : memref<4096xi32, #tpu.memory_space<hbm>> -> memref<64xi32, #tpu.memory_space<hbm>>
      %dma_start3A_18 = tpu.memref_slice %arg3[%add3A_10] : memref<4096xi32, #tpu.memory_space<hbm>> -> memref<64xi32, #tpu.memory_space<hbm>>
      tpu.enqueue_dma source(%dma_start3A_18 : memref<64xi32, #tpu.memory_space<hbm>>) target(%arg5 : memref<64xi32, #tpu.memory_space<vmem>>) target_semaphore(%run_scoped3A : memref<!tpu.dma_semaphore, #tpu.memory_space<semaphore_mem>>)
      %dma_wait3A_19 = tpu.memref_slice %arg3[%add3A_10] : memref<4096xi32, #tpu.memory_space<hbm>> -> memref<64xi32, #tpu.memory_space<hbm>>
      %dma_wait3A_20 = tpu.memref_slice %arg3[%add3A_10] : memref<4096xi32, #tpu.memory_space<hbm>> -> memref<64xi32, #tpu.memory_space<hbm>>
      tpu.wait_dma2 semaphore(%run_scoped3A : memref<!tpu.dma_semaphore, #tpu.memory_space<semaphore_mem>>) src(%dma_wait3A_20 : memref<64xi32, #tpu.memory_space<hbm>>) dst(%arg5 : memref<64xi32, #tpu.memory_space<vmem>>)
      tpu.yield
    }) : () -> ()
    %dma_start3A_11 = arith.constant 0 : i32
    %dma_start3A_12 = arith.constant 0 : i32
    %dma_start3A_13 = tpu.memref_slice %arg2[%dma_start3A_11, %dma_start3A_12] : memref<6144x1024xf32, #tpu.memory_space<hbm>> -> memref<6144x1024xf32, #tpu.memory_space<hbm>>
    tpu.enqueue_indirect_dma source(%dma_start3A_13 : memref<6144x1024xf32, #tpu.memory_space<hbm>>) target(%arg6 : memref<64x1024xf32, #tpu.memory_space<vmem>>) offsets(%arg5 : memref<64xi32, #tpu.memory_space<vmem>>) semaphore(%arg7 : memref<!tpu.dma_semaphore, #tpu.memory_space<semaphore_mem>>)
    %dma_wait3A_14 = arith.constant 0 : i32
    %dma_wait3A_15 = arith.constant 0 : i32
    %dma_wait3A_16 = tpu.memref_slice %arg2[%dma_wait3A_14, %dma_wait3A_15] : memref<6144x1024xf32, #tpu.memory_space<hbm>> -> memref<6144x1024xf32, #tpu.memory_space<hbm>>
    tpu.wait_indirect_dma semaphore(%arg7 : memref<!tpu.dma_semaphore, #tpu.memory_space<semaphore_mem>>) src(%dma_wait3A_16 : memref<6144x1024xf32, #tpu.memory_space<hbm>>) dst(%arg6 : memref<64x1024xf32, #tpu.memory_space<vmem>>)
    "tpu.region"() ({
      %run_scoped3A = tpu.sem_alloc : memref<!tpu.dma_semaphore, #tpu.memory_space<semaphore_mem>>
      %dma_start3A_17 = arith.constant 0 : i32
      %dma_start3A_18 = tpu.memref_slice %arg4[%add3A_10, %dma_start3A_17] : memref<4096x1024xf32, #tpu.memory_space<hbm>> -> memref<64x1024xf32, #tpu.memory_space<hbm>>
      %dma_start3A_19 = arith.constant 0 : i32
      %dma_start3A_20 = tpu.memref_slice %arg4[%add3A_10, %dma_start3A_19] : memref<4096x1024xf32, #tpu.memory_space<hbm>> -> memref<64x1024xf32, #tpu.memory_space<hbm>>
      tpu.enqueue_dma source(%arg6 : memref<64x1024xf32, #tpu.memory_space<vmem>>) target(%dma_start3A_20 : memref<64x1024xf32, #tpu.memory_space<hbm>>) target_semaphore(%run_scoped3A : memref<!tpu.dma_semaphore, #tpu.memory_space<semaphore_mem>>)
      %dma_wait3A_21 = arith.constant 0 : i32
      %dma_wait3A_22 = tpu.memref_slice %arg4[%add3A_10, %dma_wait3A_21] : memref<4096x1024xf32, #tpu.memory_space<hbm>> -> memref<64x1024xf32, #tpu.memory_space<hbm>>
      %dma_wait3A_23 = arith.constant 0 : i32
      %dma_wait3A_24 = tpu.memref_slice %arg4[%add3A_10, %dma_wait3A_23] : memref<4096x1024xf32, #tpu.memory_space<hbm>> -> memref<64x1024xf32, #tpu.memory_space<hbm>>
      tpu.wait_dma2 semaphore(%run_scoped3A : memref<!tpu.dma_semaphore, #tpu.memory_space<semaphore_mem>>) src(%arg6 : memref<64x1024xf32, #tpu.memory_space<vmem>>) dst(%dma_wait3A_24 : memref<64x1024xf32, #tpu.memory_space<hbm>>)
      tpu.yield
    }) : () -> ()
    return
  }
}

module attributes {stable_mosaic.version = 14 : i64} {
  func.func @_routed_kernel(%arg0: i32, %arg1: i32, %arg2: memref<24xi32, #tpu.memory_space<smem>>, %arg3: memref<4x2048xf32, #tpu.memory_space<vmem>>, %arg4: memref<2048x1024xbf16, #tpu.memory_space<vmem>>, %arg5: memref<1x1024x2048xbf16, #tpu.memory_space<vmem>>, %arg6: memref<1x1024x2048xbf16, #tpu.memory_space<vmem>>, %arg7: memref<1x2048x1024xbf16, #tpu.memory_space<vmem>>, %arg8: memref<256x1024xf32, #tpu.memory_space<vmem>>, %arg9: memref<256x1024xbf16, #tpu.memory_space<vmem>>) attributes {dimension_semantics = [#tpu.dimension_semantics<arbitrary>, #tpu.dimension_semantics<arbitrary>], iteration_bounds = array<i64: 24, 2>, scalar_prefetch = 1 : i64, scratch_operands = 1 : i64, tpu.core_type = #tpu.core_type<tc>, window_params = [{pipeline_mode = #tpu.pipeline_mode<synchronous>, transform_indices = @transform_0, window_bounds = array<i64: 4, 2048>}, {pipeline_mode = #tpu.pipeline_mode<synchronous>, transform_indices = @transform_1, window_bounds = array<i64: 2048, 1024>}, {transform_indices = @transform_2, window_bounds = array<i64: 1, 1024, 2048>}, {transform_indices = @transform_3, window_bounds = array<i64: 1, 1024, 2048>}, {transform_indices = @transform_4, window_bounds = array<i64: 1, 2048, 1024>}, {transform_indices = @transform_5, window_bounds = array<i64: 256, 1024>}]} {
    %eq3A = arith.constant 0 : i32
    %eq3A_0 = arith.cmpi eq, %arg1, %eq3A : i32
    %convert_element_type3A = arith.extui %eq3A_0 : i1 to i32
    %cond3A = arith.constant 0 : i32
    %cond3A_1 = arith.cmpi ne, %convert_element_type3A, %cond3A : i32
    scf.if %cond3A_1 {
      %iota3A = tpu.iota {dimensions = array<i32: 0>} : vector<256x1xi32>
      %mul3A_41 = arith.constant 256 : i32
      %mul3A_42 = arith.muli %arg0, %mul3A_41 : i32
      %add3A_43 = vector.broadcast %mul3A_42 : i32 to vector<256x1xi32>
      %add3A_44 = arith.addi %iota3A, %add3A_43 : vector<256x1xi32>
      %convert_element_type3A_45 = arith.sitofp %add3A_44 : vector<256x1xi32> to vector<256x1xf32>
      %get3A_46 = arith.constant 0 : index
      %get3A_47 = arith.constant 0 : index
      %get3A_48 = vector.load %arg3[%get3A_46, %get3A_47] : memref<4x2048xf32, #tpu.memory_space<vmem>>, vector<4x2048xf32>
      %slice3A = vector.extract_strided_slice %get3A_48 {offsets = [0, 0], sizes = [1, 2048], strides = [1, 1]} : vector<4x2048xf32> to vector<1x2048xf32>
      %eq3A_49 = vector.broadcast %slice3A : vector<1x2048xf32> to vector<256x2048xf32>
      %eq3A_50 = vector.broadcast %convert_element_type3A_45 : vector<256x1xf32> to vector<256x2048xf32>
      %eq3A_51 = arith.cmpf oeq, %eq3A_49, %eq3A_50 : vector<256x2048xf32>
      %slice3A_52 = vector.extract_strided_slice %get3A_48 {offsets = [2, 0], sizes = [1, 2048], strides = [1, 1]} : vector<4x2048xf32> to vector<1x2048xf32>
      %jit3A = arith.constant 0.000000e+00 : f32
      %broadcast_in_dim3A = vector.shape_cast %slice3A_52 : vector<1x2048xf32> to vector<1x2048xf32>
      %broadcast_in_dim3A_53 = vector.broadcast %broadcast_in_dim3A : vector<1x2048xf32> to vector<256x2048xf32>
      %broadcast_in_dim3A_54 = vector.broadcast %jit3A : f32 to vector<256x2048xf32>
      %select_n3A = arith.select %eq3A_51, %broadcast_in_dim3A_53, %broadcast_in_dim3A_54 : vector<256x2048xi1>, vector<256x2048xf32>
      %slice3A_55 = vector.extract_strided_slice %get3A_48 {offsets = [1, 0], sizes = [1, 2048], strides = [1, 1]} : vector<4x2048xf32> to vector<1x2048xf32>
      %eq3A_56 = vector.broadcast %slice3A_55 : vector<1x2048xf32> to vector<256x2048xf32>
      %eq3A_57 = vector.broadcast %convert_element_type3A_45 : vector<256x1xf32> to vector<256x2048xf32>
      %eq3A_58 = arith.cmpf oeq, %eq3A_56, %eq3A_57 : vector<256x2048xf32>
      %slice3A_59 = vector.extract_strided_slice %get3A_48 {offsets = [3, 0], sizes = [1, 2048], strides = [1, 1]} : vector<4x2048xf32> to vector<1x2048xf32>
      %jit3A_60 = arith.constant 0.000000e+00 : f32
      %broadcast_in_dim3A_61 = vector.shape_cast %slice3A_59 : vector<1x2048xf32> to vector<1x2048xf32>
      %broadcast_in_dim3A_62 = vector.broadcast %broadcast_in_dim3A_61 : vector<1x2048xf32> to vector<256x2048xf32>
      %broadcast_in_dim3A_63 = vector.broadcast %jit3A_60 : f32 to vector<256x2048xf32>
      %select_n3A_64 = arith.select %eq3A_58, %broadcast_in_dim3A_62, %broadcast_in_dim3A_63 : vector<256x2048xi1>, vector<256x2048xf32>
      %add3A_65 = arith.addf %select_n3A, %select_n3A_64 : vector<256x2048xf32>
      %convert_element_type3A_66 = arith.truncf %add3A_65 : vector<256x2048xf32> to vector<256x2048xbf16>
      %get3A_67 = arith.constant 0 : index
      %get3A_68 = arith.constant 0 : index
      %get3A_69 = vector.load %arg4[%get3A_67, %get3A_68] : memref<2048x1024xbf16, #tpu.memory_space<vmem>>, vector<2048x1024xbf16>
      %dot_general3A_70 = arith.constant dense<0.000000e+00> : vector<256x1024xf32>
      %dot_general3A_71 = tpu.matmul %convert_element_type3A_66, %get3A_69, %dot_general3A_70 {dimension_numbers = #tpu.dot_dimension_numbers<[1], [0], [0], [1], [0, 0, 1, 1], [], []>, transpose_lhs_hint = false} : vector<256x2048xbf16>, vector<2048x1024xbf16>, vector<256x1024xf32> -> vector<256x1024xf32>
      %convert_element_type3A_72 = arith.truncf %dot_general3A_71 : vector<256x1024xf32> to vector<256x1024xbf16>
      %swap3A_73 = arith.constant 0 : index
      %swap3A_74 = arith.constant 0 : index
      %swap3A_75 = vector.load %arg9[%swap3A_73, %swap3A_74] : memref<256x1024xbf16, #tpu.memory_space<vmem>>, vector<256x1024xbf16>
      tpu.vector_store %arg9[%swap3A_73, %swap3A_74], %convert_element_type3A_72 {strides = array<i32>} : memref<256x1024xbf16, #tpu.memory_space<vmem>>, vector<256x1024xbf16>,
    } else {
    }
    %get3A = arith.constant 0 : index
    %get3A_2 = arith.constant 0 : index
    %get3A_3 = vector.load %arg9[%get3A, %get3A_2] : memref<256x1024xbf16, #tpu.memory_space<vmem>>, vector<256x1024xbf16>
    %get3A_4 = arith.constant 0 : index
    %get3A_5 = arith.constant 0 : index
    %get3A_6 = arith.constant 0 : index
    %get3A_7 = vector.load %arg5[%get3A_4, %get3A_5, %get3A_6] : memref<1x1024x2048xbf16, #tpu.memory_space<vmem>>, vector<1x1024x2048xbf16>
    %get3A_8 = vector.shape_cast %get3A_7 : vector<1x1024x2048xbf16> to vector<1024x2048xbf16>
    %dot_general3A = arith.constant dense<0.000000e+00> : vector<256x2048xf32>
    %dot_general3A_9 = tpu.matmul %get3A_3, %get3A_8, %dot_general3A {dimension_numbers = #tpu.dot_dimension_numbers<[1], [0], [0], [1], [0, 0, 1, 1], [], []>, transpose_lhs_hint = false} : vector<256x1024xbf16>, vector<1024x2048xbf16>, vector<256x2048xf32> -> vector<256x2048xf32>
    %get3A_10 = arith.constant 0 : index
    %get3A_11 = arith.constant 0 : index
    %get3A_12 = arith.constant 0 : index
    %get3A_13 = vector.load %arg6[%get3A_10, %get3A_11, %get3A_12] : memref<1x1024x2048xbf16, #tpu.memory_space<vmem>>, vector<1x1024x2048xbf16>
    %get3A_14 = vector.shape_cast %get3A_13 : vector<1x1024x2048xbf16> to vector<1024x2048xbf16>
    %dot_general3A_15 = arith.constant dense<0.000000e+00> : vector<256x2048xf32>
    %dot_general3A_16 = tpu.matmul %get3A_3, %get3A_14, %dot_general3A_15 {dimension_numbers = #tpu.dot_dimension_numbers<[1], [0], [0], [1], [0, 0, 1, 1], [], []>, transpose_lhs_hint = false} : vector<256x1024xbf16>, vector<1024x2048xbf16>, vector<256x2048xf32> -> vector<256x2048xf32>
    %logistic3A = arith.negf %dot_general3A_9 : vector<256x2048xf32>
    %logistic3A_17 = math.exp %logistic3A : vector<256x2048xf32>
    %logistic3A_18 = arith.constant 1.000000e+00 : f32
    %logistic3A_19 = vector.broadcast %logistic3A_18 : f32 to vector<256x2048xf32>
    %logistic3A_20 = arith.addf %logistic3A_19, %logistic3A_17 : vector<256x2048xf32>
    %logistic3A_21 = arith.divf %logistic3A_19, %logistic3A_20 : vector<256x2048xf32>
    %mul3A = arith.mulf %dot_general3A_9, %logistic3A_21 : vector<256x2048xf32>
    %mul3A_22 = arith.mulf %mul3A, %dot_general3A_16 : vector<256x2048xf32>
    %convert_element_type3A_23 = arith.truncf %mul3A_22 : vector<256x2048xf32> to vector<256x2048xbf16>
    %eq3A_24 = arith.constant 0 : i32
    %eq3A_25 = arith.cmpi eq, %arg1, %eq3A_24 : i32
    %convert_element_type3A_26 = arith.extui %eq3A_25 : i1 to i32
    %cond3A_27 = arith.constant 0 : i32
    %cond3A_28 = arith.cmpi ne, %convert_element_type3A_26, %cond3A_27 : i32
    scf.if %cond3A_28 {
      %broadcast_in_dim3A = arith.constant 0.000000e+00 : f32
      %broadcast_in_dim3A_41 = vector.broadcast %broadcast_in_dim3A : f32 to vector<256x1024xf32>
      %swap3A_42 = arith.constant 0 : index
      %swap3A_43 = arith.constant 0 : index
      %swap3A_44 = vector.load %arg8[%swap3A_42, %swap3A_43] : memref<256x1024xf32, #tpu.memory_space<vmem>>, vector<256x1024xf32>
      tpu.vector_store %arg8[%swap3A_42, %swap3A_43], %broadcast_in_dim3A_41 {strides = array<i32>} : memref<256x1024xf32, #tpu.memory_space<vmem>>, vector<256x1024xf32>,
    } else {
    }
    %get3A_29 = arith.constant 0 : index
    %get3A_30 = arith.constant 0 : index
    %get3A_31 = vector.load %arg8[%get3A_29, %get3A_30] : memref<256x1024xf32, #tpu.memory_space<vmem>>, vector<256x1024xf32>
    %get3A_32 = arith.constant 0 : index
    %get3A_33 = arith.constant 0 : index
    %get3A_34 = arith.constant 0 : index
    %get3A_35 = vector.load %arg7[%get3A_32, %get3A_33, %get3A_34] : memref<1x2048x1024xbf16, #tpu.memory_space<vmem>>, vector<1x2048x1024xbf16>
    %get3A_36 = vector.shape_cast %get3A_35 : vector<1x2048x1024xbf16> to vector<2048x1024xbf16>
    %dot_general3A_37 = arith.constant dense<0.000000e+00> : vector<256x1024xf32>
    %dot_general3A_38 = tpu.matmul %convert_element_type3A_23, %get3A_36, %dot_general3A_37 {dimension_numbers = #tpu.dot_dimension_numbers<[1], [0], [0], [1], [0, 0, 1, 1], [], []>, transpose_lhs_hint = false} : vector<256x2048xbf16>, vector<2048x1024xbf16>, vector<256x1024xf32> -> vector<256x1024xf32>
    %add3A = arith.addf %get3A_31, %dot_general3A_38 : vector<256x1024xf32>
    %swap3A = arith.constant 0 : index
    %swap3A_39 = arith.constant 0 : index
    %swap3A_40 = vector.load %arg8[%swap3A, %swap3A_39] : memref<256x1024xf32, #tpu.memory_space<vmem>>, vector<256x1024xf32>
    tpu.vector_store %arg8[%swap3A, %swap3A_39], %add3A {strides = array<i32>} : memref<256x1024xf32, #tpu.memory_space<vmem>>, vector<256x1024xf32>,
    return
  }
  func.func @transform_0(%arg0: i32, %arg1: i32, %arg2: memref<24xi32, #tpu.memory_space<smem>>) -> (i32, i32) {
    %c0_i32 = arith.constant 0 : i32
    %c0_i32_0 = arith.constant 0 : i32
    %c0_i32_1 = arith.constant 0 : i32
    return %c0_i32, %c0_i32_0 : i32, i32
  }
  func.func @transform_1(%arg0: i32, %arg1: i32, %arg2: memref<24xi32, #tpu.memory_space<smem>>) -> (i32, i32) {
    %c0_i32 = arith.constant 0 : i32
    %c0_i32_0 = arith.constant 0 : i32
    %c0_i32_1 = arith.constant 0 : i32
    return %c0_i32, %c0_i32_0 : i32, i32
  }
  func.func @transform_2(%arg0: i32, %arg1: i32, %arg2: memref<24xi32, #tpu.memory_space<smem>>) -> (i32, i32, i32) {
    %get3A = arith.index_cast %arg0 : i32 to index
    %get3A_0 = memref.load %arg2[%get3A] : memref<24xi32, #tpu.memory_space<smem>>
    %c0_i32 = arith.constant 0 : i32
    %c0_i32_1 = arith.constant 0 : i32
    return %get3A_0, %c0_i32, %arg1 : i32, i32, i32
  }
  func.func @transform_3(%arg0: i32, %arg1: i32, %arg2: memref<24xi32, #tpu.memory_space<smem>>) -> (i32, i32, i32) {
    %get3A = arith.index_cast %arg0 : i32 to index
    %get3A_0 = memref.load %arg2[%get3A] : memref<24xi32, #tpu.memory_space<smem>>
    %c0_i32 = arith.constant 0 : i32
    %c0_i32_1 = arith.constant 0 : i32
    return %get3A_0, %c0_i32, %arg1 : i32, i32, i32
  }
  func.func @transform_4(%arg0: i32, %arg1: i32, %arg2: memref<24xi32, #tpu.memory_space<smem>>) -> (i32, i32, i32) {
    %get3A = arith.index_cast %arg0 : i32 to index
    %get3A_0 = memref.load %arg2[%get3A] : memref<24xi32, #tpu.memory_space<smem>>
    %c0_i32 = arith.constant 0 : i32
    %c0_i32_1 = arith.constant 0 : i32
    return %get3A_0, %arg1, %c0_i32 : i32, i32, i32
  }
  func.func @transform_5(%arg0: i32, %arg1: i32, %arg2: memref<24xi32, #tpu.memory_space<smem>>) -> (i32, i32) {
    %c0_i32 = arith.constant 0 : i32
    %c0_i32_0 = arith.constant 0 : i32
    return %arg0, %c0_i32 : i32, i32
  }
}

module attributes {stable_mosaic.version = 14 : i64} {
  func.func @_shared_kernel(%arg0: i32, %arg1: memref<2048x1024xbf16, #tpu.memory_space<vmem>>, %arg2: memref<1024x512xbf16, #tpu.memory_space<vmem>>, %arg3: memref<1024x512xbf16, #tpu.memory_space<vmem>>, %arg4: memref<512x1024xbf16, #tpu.memory_space<vmem>>, %arg5: memref<2048x1024xf32, #tpu.memory_space<vmem>>) attributes {dimension_semantics = [#tpu.dimension_semantics<arbitrary>], iteration_bounds = array<i64: 8>, scalar_prefetch = 0 : i64, scratch_operands = 0 : i64, tpu.core_type = #tpu.core_type<tc>, window_params = [{pipeline_mode = #tpu.pipeline_mode<synchronous>, transform_indices = @transform_0, window_bounds = array<i64: 2048, 1024>}, {transform_indices = @transform_1, window_bounds = array<i64: 1024, 512>}, {transform_indices = @transform_2, window_bounds = array<i64: 1024, 512>}, {transform_indices = @transform_3, window_bounds = array<i64: 512, 1024>}, {pipeline_mode = #tpu.pipeline_mode<synchronous>, transform_indices = @transform_4, window_bounds = array<i64: 2048, 1024>}]} {
    %get3A = arith.constant 0 : index
    %get3A_0 = arith.constant 0 : index
    %get3A_1 = vector.load %arg1[%get3A, %get3A_0] : memref<2048x1024xbf16, #tpu.memory_space<vmem>>, vector<2048x1024xbf16>
    %get3A_2 = arith.constant 0 : index
    %get3A_3 = arith.constant 0 : index
    %get3A_4 = vector.load %arg2[%get3A_2, %get3A_3] : memref<1024x512xbf16, #tpu.memory_space<vmem>>, vector<1024x512xbf16>
    %dot_general3A = arith.constant dense<0.000000e+00> : vector<2048x512xf32>
    %dot_general3A_5 = tpu.matmul %get3A_1, %get3A_4, %dot_general3A {dimension_numbers = #tpu.dot_dimension_numbers<[1], [0], [0], [1], [0, 0, 1, 1], [], []>, transpose_lhs_hint = false} : vector<2048x1024xbf16>, vector<1024x512xbf16>, vector<2048x512xf32> -> vector<2048x512xf32>
    %get3A_6 = arith.constant 0 : index
    %get3A_7 = arith.constant 0 : index
    %get3A_8 = vector.load %arg3[%get3A_6, %get3A_7] : memref<1024x512xbf16, #tpu.memory_space<vmem>>, vector<1024x512xbf16>
    %dot_general3A_9 = arith.constant dense<0.000000e+00> : vector<2048x512xf32>
    %dot_general3A_10 = tpu.matmul %get3A_1, %get3A_8, %dot_general3A_9 {dimension_numbers = #tpu.dot_dimension_numbers<[1], [0], [0], [1], [0, 0, 1, 1], [], []>, transpose_lhs_hint = false} : vector<2048x1024xbf16>, vector<1024x512xbf16>, vector<2048x512xf32> -> vector<2048x512xf32>
    %logistic3A = arith.negf %dot_general3A_5 : vector<2048x512xf32>
    %logistic3A_11 = math.exp %logistic3A : vector<2048x512xf32>
    %logistic3A_12 = arith.constant 1.000000e+00 : f32
    %logistic3A_13 = vector.broadcast %logistic3A_12 : f32 to vector<2048x512xf32>
    %logistic3A_14 = arith.addf %logistic3A_13, %logistic3A_11 : vector<2048x512xf32>
    %logistic3A_15 = arith.divf %logistic3A_13, %logistic3A_14 : vector<2048x512xf32>
    %mul3A = arith.mulf %dot_general3A_5, %logistic3A_15 : vector<2048x512xf32>
    %mul3A_16 = arith.mulf %mul3A, %dot_general3A_10 : vector<2048x512xf32>
    %convert_element_type3A = arith.truncf %mul3A_16 : vector<2048x512xf32> to vector<2048x512xbf16>
    %eq3A = arith.constant 0 : i32
    %eq3A_17 = arith.cmpi eq, %arg0, %eq3A : i32
    %convert_element_type3A_18 = arith.extui %eq3A_17 : i1 to i32
    %cond3A = arith.constant 0 : i32
    %cond3A_19 = arith.cmpi ne, %convert_element_type3A_18, %cond3A : i32
    scf.if %cond3A_19 {
      %broadcast_in_dim3A = arith.constant 0.000000e+00 : f32
      %broadcast_in_dim3A_30 = vector.broadcast %broadcast_in_dim3A : f32 to vector<2048x1024xf32>
      %swap3A_31 = arith.constant 0 : index
      %swap3A_32 = arith.constant 0 : index
      %swap3A_33 = vector.load %arg5[%swap3A_31, %swap3A_32] : memref<2048x1024xf32, #tpu.memory_space<vmem>>, vector<2048x1024xf32>
      tpu.vector_store %arg5[%swap3A_31, %swap3A_32], %broadcast_in_dim3A_30 {strides = array<i32>} : memref<2048x1024xf32, #tpu.memory_space<vmem>>, vector<2048x1024xf32>,
    } else {
    }
    %get3A_20 = arith.constant 0 : index
    %get3A_21 = arith.constant 0 : index
    %get3A_22 = vector.load %arg5[%get3A_20, %get3A_21] : memref<2048x1024xf32, #tpu.memory_space<vmem>>, vector<2048x1024xf32>
    %get3A_23 = arith.constant 0 : index
    %get3A_24 = arith.constant 0 : index
    %get3A_25 = vector.load %arg4[%get3A_23, %get3A_24] : memref<512x1024xbf16, #tpu.memory_space<vmem>>, vector<512x1024xbf16>
    %dot_general3A_26 = arith.constant dense<0.000000e+00> : vector<2048x1024xf32>
    %dot_general3A_27 = tpu.matmul %convert_element_type3A, %get3A_25, %dot_general3A_26 {dimension_numbers = #tpu.dot_dimension_numbers<[1], [0], [0], [1], [0, 0, 1, 1], [], []>, transpose_lhs_hint = false} : vector<2048x512xbf16>, vector<512x1024xbf16>, vector<2048x1024xf32> -> vector<2048x1024xf32>
    %add3A = arith.addf %get3A_22, %dot_general3A_27 : vector<2048x1024xf32>
    %swap3A = arith.constant 0 : index
    %swap3A_28 = arith.constant 0 : index
    %swap3A_29 = vector.load %arg5[%swap3A, %swap3A_28] : memref<2048x1024xf32, #tpu.memory_space<vmem>>, vector<2048x1024xf32>
    tpu.vector_store %arg5[%swap3A, %swap3A_28], %add3A {strides = array<i32>} : memref<2048x1024xf32, #tpu.memory_space<vmem>>, vector<2048x1024xf32>,
    return
  }
  func.func @transform_0(%arg0: i32) -> (i32, i32) {
    %c0_i32 = arith.constant 0 : i32
    %c0_i32_0 = arith.constant 0 : i32
    %c0_i32_1 = arith.constant 0 : i32
    return %c0_i32, %c0_i32_0 : i32, i32
  }
  func.func @transform_1(%arg0: i32) -> (i32, i32) {
    %c0_i32 = arith.constant 0 : i32
    %c0_i32_0 = arith.constant 0 : i32
    return %c0_i32, %arg0 : i32, i32
  }
  func.func @transform_2(%arg0: i32) -> (i32, i32) {
    %c0_i32 = arith.constant 0 : i32
    %c0_i32_0 = arith.constant 0 : i32
    return %c0_i32, %arg0 : i32, i32
  }
  func.func @transform_3(%arg0: i32) -> (i32, i32) {
    %c0_i32 = arith.constant 0 : i32
    %c0_i32_0 = arith.constant 0 : i32
    return %arg0, %c0_i32 : i32, i32
  }
  func.func @transform_4(%arg0: i32) -> (i32, i32) {
    %c0_i32 = arith.constant 0 : i32
    %c0_i32_0 = arith.constant 0 : i32
    %c0_i32_1 = arith.constant 0 : i32
    return %c0_i32, %c0_i32_0 : i32, i32
  }
}

module attributes {stable_mosaic.version = 14 : i64} {
  func.func @_add3_kernel(%arg0: i32, %arg1: memref<512x1024xf32, #tpu.memory_space<vmem>>, %arg2: memref<512x2048xf32, #tpu.memory_space<vmem>>, %arg3: memref<512x1024xf32, #tpu.memory_space<vmem>>) attributes {dimension_semantics = [#tpu.dimension_semantics<arbitrary>], iteration_bounds = array<i64: 4>, scalar_prefetch = 0 : i64, scratch_operands = 0 : i64, tpu.core_type = #tpu.core_type<tc>, window_params = [{transform_indices = @transform_0, window_bounds = array<i64: 512, 1024>}, {transform_indices = @transform_1, window_bounds = array<i64: 512, 2048>}, {transform_indices = @transform_2, window_bounds = array<i64: 512, 1024>}]} {
    %get3A = arith.constant 0 : index
    %get3A_0 = arith.constant 0 : index
    %get3A_1 = vector.load %arg1[%get3A, %get3A_0] : memref<512x1024xf32, #tpu.memory_space<vmem>>, vector<512x1024xf32>
    %get3A_2 = arith.constant 0 : index
    %get3A_3 = arith.constant 0 : index
    %get3A_4 = vector.load %arg2[%get3A_2, %get3A_3] : memref<512x2048xf32, #tpu.memory_space<vmem>>, vector<512x1024xf32>
    %add3A = arith.addf %get3A_1, %get3A_4 : vector<512x1024xf32>
    %get3A_5 = arith.constant 0 : index
    %get3A_6 = arith.constant 1024 : index
    %get3A_7 = vector.load %arg2[%get3A_5, %get3A_6] : memref<512x2048xf32, #tpu.memory_space<vmem>>, vector<512x1024xf32>
    %add3A_8 = arith.addf %add3A, %get3A_7 : vector<512x1024xf32>
    %swap3A = arith.constant 0 : index
    %swap3A_9 = arith.constant 0 : index
    %swap3A_10 = vector.load %arg3[%swap3A, %swap3A_9] : memref<512x1024xf32, #tpu.memory_space<vmem>>, vector<512x1024xf32>
    tpu.vector_store %arg3[%swap3A, %swap3A_9], %add3A_8 {strides = array<i32>} : memref<512x1024xf32, #tpu.memory_space<vmem>>, vector<512x1024xf32>,
    return
  }
  func.func @transform_0(%arg0: i32) -> (i32, i32) {
    %c0_i32 = arith.constant 0 : i32
    %c0_i32_0 = arith.constant 0 : i32
    return %arg0, %c0_i32 : i32, i32
  }
  func.func @transform_1(%arg0: i32) -> (i32, i32) {
    %c0_i32 = arith.constant 0 : i32
    %c0_i32_0 = arith.constant 0 : i32
    return %arg0, %c0_i32 : i32, i32
  }
  func.func @transform_2(%arg0: i32) -> (i32, i32) {
    %c0_i32 = arith.constant 0 : i32
    %c0_i32_0 = arith.constant 0 : i32
    return %arg0, %c0_i32 : i32, i32
  }
}

</mosaic_0001>

<sc_bundles>
// kernel: kernel.6.cloned.1.call-start
scs
__scs_entry_jumppad:
0x0: {  	(pc) =	sbr.rel $0x88, $3  }
0x1: {  	(tag) =	ssettag $0x0;
	lr =	simm.s32 $0x1  }
0x2: {  	[smem:$0x3F99] =	sst lr;
	_ =	strace $0xD0000000  }
0x3: {  	_ = 	snop  }
0x4: {  	_ = 	snop  }
0x5: {  	_ = 	snop  }
0x6: {  	_ = 	snop  }
0x7: {  	_ = 	snop  }
__scs_overlays_trampoline_lowered:
0x8: {  	[smem:$0x3FA8] =	sst s0  }
0x9: {  	[smem:$0x3FA9] =	sst s1  }
0xa: {  	[smem:$0x3FAA] =	sst s2  }
0xb: {  	[smem:$0x3FAB] =	sst s3  }
0xc: {  	[smem:$0x3FAC] =	sst s4  }
0xd: {  	[smem:$0x3FAD] =	sst s5  }
0xe: {  	[smem:$0x3FAE] =	sst s6  }
0xf: {  	[smem:$0x3FAF] =	sst s7  }
0x10: {  	[smem:$0x3FB0] =	sst s8  }
0x11: {  	[smem:$0x3FB1] =	sst s9;
	s0 =	simm.s32 @!p0 $0x0  }
0x12: {  	s1 =	sld [smem:$0x3F97];
	s0 =	simm.s32 @p0 $0x1  }
0x13: {  	[smem:$0x3FB2] =	sst s0;
	s0 =	simm.s32 @!p1 $0x0  }
0x14: {  	s2 =	sld [smem:$0x3F96];
	s0 =	simm.s32 @p1 $0x1  }
0x15: {  	[smem:$0x3FB3] =	sst s0;
	s0 =	simm.s32 @!p2 $0x0  }
0x16: {  	s3 =	sld [smem:$0x3FDB];
	s0 =	simm.s32 @p2 $0x1  }
0x17: {  	s4 =	simm.s32 $0x1BF5;
	[smem:$0x3FB5] =	sst s0  }
0x18: {  	s0 =	sld [smem:$0x3F98];
	_ =	swait.ge [sflag:s4], $0x0  }
0x19: {  	s7 =	sld [smem:$0x3F99]  }
0x1a: {  	s8 =	sadd.s32 $0xFFFFE003, lr  }
0x1b: {  	s9 =	sadd.s32 $0xFFFFFEF7, lr;
	s5 =	simm.s32 $0xFFFFFFFF;
	p2 =	slt.u32 s8, $0xFFFFF086  }
0x1c: {  	p1 =	slt.u32 s9, $0xF7A;
	s5 =	simm.s32 @!p2 $0x0  }
0x1d: {  	s5 =	simm.s32 @p1 $0x1;
	p0 =	seq.s32 s7, s2  }
0x1e: {  	s7 =	smul.u32 @!p0 $0xF7A, s2;
	p2 =	seq.s32 @!p0 s5, $0x0  }
0x1f: {  	s9 =	smul.u32 $0xF7A, s1;
	s8 =	simm.s32 @!p0 $0x1BF5;
	p2 =	por !p2, p0  }
0x20: {  	[sflag:s8] =	ssyncset.s32 @!p0 $0xFFFFF086;
	s6 =	sadd.s32 @!p0 s3, s7;
	s7 =	simm.s32 @!p0 $0x108  }
0x21: {  	s3 =	sadd.s32 s3, s9;
	s6 =	sadd.s32 @!p0 $0x88, s6;
	s7 =	simm.s32 @p2 $0x1082  }
0x22: {  	[simem:s7], [sflag:s8] =	dma.local @!p0 [hbm:s6], $0xF7A  }
0x23: {  	s9 =	sor.u32 $0xD0000000, s2;
	s6 =	simm.s32 $0x108;
	_ =	swait.ge @!p0 [sflag:s8], $0x0  }
0x24: {  	s3 =	sadd.s32 $0x88, s3;
	s6 =	simm.s32 @!p1 $0x1082;
	[sflag:s4] =	ssyncset.s32 $0xFFFFF086  }
0x25: {  	[simem:s6], [sflag:s4] =	dma.local [hbm:s3], $0xF7A  }
0x26: {  	[smem:$0x3F99] =	sst s1;
	(tag) =	ssettag s2;
	_ =	strace s9  }
0x27: {  	s1 =	sld [smem:$0x3FA9]  }
0x28: {  	s2 =	sld [smem:$0x3FAA]  }
0x29: {  	s4 =	sld [smem:$0x3FAC]  }
0x2a: {  	p0 =	seq.s32 s5, $0x0;
	s5 =	sld [smem:$0x3FAD]  }
0x2b: {  	s6 =	sld [smem:$0x3FAE]  }
0x2c: {  	s7 =	sld [smem:$0x3FAF]  }
0x2d: {  	s3 =	simm.s32 $0x108;
	s8 =	sld [smem:$0x3FB0]  }
0x2e: {  	s3 =	simm.s32 @!p0 $0x1082;
	s9 =	sld [smem:$0x3FB1]  }
0x2f: {  	lr =	sadd.s32 s0, s3;
	s0 =	sld [smem:$0x3FA8]  }
0x30: {  	s3 =	sld [smem:$0x3FAB]  }
0x31: {  	[smem:$0x3FB4] =	sst s10  }
0x32: {  	s10 =	sld [smem:$0x3FB2];
	_ =	sdelay $0x3  }
0x33: {  	p0 =	seq.s32 s10, $0x1;
	s10 =	sld [smem:$0x3FB4];
	_ =	sdelay $0x3  }
0x34: {  	[smem:$0x3FB4] =	sst s10  }
0x35: {  	s10 =	sld [smem:$0x3FB3];
	_ =	sdelay $0x3  }
0x36: {  	p1 =	seq.s32 s10, $0x1;
	s10 =	sld [smem:$0x3FB4];
	_ =	sdelay $0x3  }
0x37: {  	[smem:$0x3FB4] =	sst s10  }
0x38: {  	s10 =	sld [smem:$0x3FB5]  }
0x39: {  	_ = 	snop;
	(pc) =	sbr.ind lr, $3  }
0x3a: {  	_ = 	snop  }
0x3b: {  	_ = 	snop  }
0x3c: {  	p2 =	seq.s32 s10, $0x1;
	s10 =	sld [smem:$0x3FB4]  }
0x3d: {  	_ =	shalt  }
0x3e: {  	_ =	shalt  }
0x3f: {  	_ =	shalt  }
0x40: {  	_ =	shalt  }
0x41: {  	_ =	shalt  }
0x42: {  	_ =	shalt  }
0x43: {  	_ =	shalt  }
0x44: {  	_ =	shalt  }
0x45: {  	_ =	shalt  }
0x46: {  	_ =	shalt  }
0x47: {  	_ =	shalt  }
0x48: {  	_ =	shalt  }
0x49: {  	_ =	shalt  }
0x4a: {  	_ =	shalt  }
0x4b: {  	_ =	shalt  }
0x4c: {  	_ =	shalt  }
0x4d: {  	_ =	shalt  }
0x4e: {  	_ =	shalt  }
0x4f: {  	_ =	shalt  }
0x50: {  	_ =	shalt  }
0x51: {  	_ =	shalt  }
0x52: {  	_ =	shalt  }
0x53: {  	_ =	shalt  }
0x54: {  	_ =	shalt  }
0x55: {  	_ =	shalt  }
0x56: {  	_ =	shalt  }
0x57: {  	_ =	shalt  }
0x58: {  	_ =	shalt  }
0x59: {  	_ =	shalt  }
0x5a: {  	_ =	shalt  }
0x5b: {  	_ =	shalt  }
0x5c: {  	_ =	shalt  }
0x5d: {  	_ =	shalt  }
0x5e: {  	_ =	shalt  }
0x5f: {  	_ =	shalt  }
0x60: {  	_ =	shalt  }
0x61: {  	_ =	shalt  }
0x62: {  	_ =	shalt  }
0x63: {  	_ =	shalt  }
0x64: {  	_ =	shalt  }
0x65: {  	_ =	shalt  }
0x66: {  	_ =	shalt  }
0x67: {  	_ =	shalt  }
0x68: {  	_ =	shalt  }
0x69: {  	_ =	shalt  }
0x6a: {  	_ =	shalt  }
0x6b: {  	_ =	shalt  }
0x6c: {  	_ =	shalt  }
0x6d: {  	_ =	shalt  }
0x6e: {  	_ =	shalt  }
0x6f: {  	_ =	shalt  }
0x70: {  	_ =	shalt  }
0x71: {  	_ =	shalt  }
0x72: {  	_ =	shalt  }
0x73: {  	_ =	shalt  }
0x74: {  	_ =	shalt  }
0x75: {  	_ =	shalt  }
0x76: {  	_ =	shalt  }
0x77: {  	_ =	shalt  }
0x78: {  	_ =	shalt  }
0x79: {  	_ =	shalt  }
0x7a: {  	_ =	shalt  }
0x7b: {  	_ =	shalt  }
0x7c: {  	_ =	shalt  }
0x7d: {  	_ =	shalt  }
0x7e: {  	_ =	shalt  }
0x7f: {  	_ =	shalt  }
0x80: {  	_ =	shalt  }
0x81: {  	_ =	shalt  }
0x82: {  	_ =	shalt  }
0x83: {  	_ =	shalt  }
0x84: {  	_ =	shalt  }
0x85: {  	_ =	shalt  }
0x86: {  	_ =	shalt  }
0x87: {  	_ =	shalt  }
.Lfunc_end0:
.L_simem_size_0:
called_computation_lowered:
.L_overlay_start_0:
0x88: {  	s2 =	sld [smem:$0x3FD9]  }
0x89: {  	s3 =	sld [smem:$0x3FFE];
	_ =	sdelay $0x1  }
0x8a: {  	s1 =	srdreg.scid  }
0x8b: {  	s0 =	sand.u32 $0x1, s1  }
0x8c: {  	s16 =	sshll.u32 s0, $0xA;
	s2 =	sadd.s32 s3, s2  }
0x8d: {  	s2 =	sadd.s32 s2, s16  }
0x8e: {  	[smem:$0x3FC0] =	sst s2  }
0x8f: {  	_ = 	snop  }
0x90: {  	(tm) =	ssettm $0x1  }
0x91: {  	s17 =	sld [smem:$0x3FFB];
	_ =	sdelay $0x3  }
0x92: {  	_ =	strace s17  }
0x93: {  	s2 =	sld [smem:$0x3FFC];
	_ =	sdelay $0x3  }
0x94: {  	_ =	strace s2  }
0x95: {  	s2 =	sld [smem:$0x3FFD];
	_ =	sdelay $0x3  }
0x96: {  	_ =	strace s2  }
0x97: {  	_ =	strace $0x8FFFFFFF  }
0x98: {  	s18 =	sld [smem:$0x3FDB];
	_ =	sdelay $0x1  }
0x99: {  	s19 =	simm.s32 $_scs_section_size  }
0x9a: {  	s4 =	simm.s32 $_size__tile_overlayer_lowered;
	s5 =	simm.s32 $_tile_overlayer_lowered  }
0x9b: {  	s22 =	simm.s32 $0x1BFF;
	s21 =	sshll.u32 s5, $0x1;
	s2 =	sadd.s32 s19, s18  }
0x9c: {  	s6 =	simm.s32 $0x0;
	s20 =	sshll.u32 s4, $0x1;
	s4 =	sadd.s32 s21, s2  }
0x9d: {  	[timem:s6], [sflag:s22] =	dma.local [hbm:s4], s20  }
0x9e: {  	_ =	swait.ge [sflag:s22], s20  }
0x9f: {  	s3 =	ssub.s32 $0x0, s20;
	[sflag:s22] =	ssyncset.done $0x0  }
0xa0: {  	[sflag:s22] =	ssyncadd.s32 s3;
	_ =	sdelay $0x1  }
0xa1: {  	s23 =	simm.s32 $0x1B8B  }
0xa2: {  	_ =	swait.ge [sflag:s23], $0x1  }
0xa3: {  	[sflag:s23] =	ssyncset.done $0x0  }
0xa4: {  	s25 =	simm.s32 $0x1B8E;
	s24 =	sld [smem:$0x3FFE];
	[sflag:s23] =	ssyncadd.s32 $0xFFFFFFFF  }
0xa5: {  	s26 =	simm.s32 $execute0_lowered;
	[smem:$0x3FD2] =	sst s25  }
0xa6: {  	s4 =	sshll.u32 s26, $0x1;
	_ =	strace $0x80000046;
	[dreg:$0x1] =	wrdreg $0xFFFFFFFF  }
0xa7: {  	s28 =	simm.s32 $_size_execute0_lowered;
	s2 =	sadd.s32 s2, s4;
	[dreg:$0x0] =	wrdreg $0x0  }
0xa8: {  	s4 =	sshll.u32 s28, $0x1;
	[dreg:$0x2] =	wrdreg s2  }
0xa9: {  	[dreg:$0x3] =	wrdreg s4  }
0xaa: {  	[dreg:$0x4] =	wrdreg $0xC0  }
0xab: {  	_ =	task [dreg:s6], $0x5FFFF  }
0xac: {  	[dreg:$0x1] =	wrdreg $0xFFFFFFFF  }
0xad: {  	[dreg:$0x0] =	wrdreg $0x60  }
0xae: {  	[dreg:$0x2] =	wrdreg s24  }
0xaf: {  	[dreg:$0x3] =	wrdreg $0x9  }
0xb0: {  	_ =	task.clear_ibuf [dreg:s6], $0x4FFFF;
	_ =	strace $0x90000046  }
0xb1: {  	s29 =	simm.s32 $0x9;
	_ =	strace $0x80000048  }
0xb2: {  	_ =	swait.ge [sflag:s29], $0x1  }
0xb3: {  	[sflag:s29] =	ssyncadd.s32 $0xFFFFFFFF  }
0xb4: {  	_ =	strace $0x90000048  }
0xb5: {  	_ =	sfence  }
0xb6: {  	s30 =	sld [smem:$0x0];
	_ =	sdelay $0x2  }
0xb7: {  	s31 =	sshll.u32 s1, $0xD;
	s1 =	sshrl.u32 s1, $0x2  }
0xb8: {  	s3 =	sand.u32 $0x4000, s31;
	s1 =	sadd.s32 s1, s30  }
0xb9: {  	s0 =	sor.u32 s3, s0;
	s1 =	sshll.u32 s1, $0x11  }
0xba: {  	s0 =	sor.u32 s1, s0  }
0xbb: {  	s0 =	sadd.s32 $0x8F2B, s0  }
0xbc: {  	[sflag:s0] =	ssyncadd.remote.s32 $0x1  }
0xbd: {  	_ =	sfence.sel $0xFFFF  }
0xbe: {  	[dreg:$0x0] =	wrdreg $0xFFFFFFFF;
	(pc) =	sbr.abs _section_cstart, $3  }
0xbf: {  	[dreg:$0x1] =	wrdreg $0xFFFFFFFF  }
0xc0: {  	_ =	task.clear_ibuf [dreg:s6], $0x2FFFF;
	_ =	strace $0x9FFFFFFF  }
0xc1: {  	(tm) =	ssettm $0x7FFFFFFF  }
tec
execute0_lowered:
.L_overlay_start_1:
0x0: {  	(tag) =	ssettag $0x1  }
0x1: {  	s0 =	rddreg [dreg:$0x0];
	s1 =	srdreg.scid  }
0x2: {  	s2 =	simm.s32 $0x0;
	s3 =	stileid.u32;
	s18 =	simm.s32 $0x1  }
0x3: {  	s20 =	simm.s32 $0x880;
	s21 =	simm.s32 $0x1080;
	s22 =	simm.s32 $0x1880  }
0x4: {  	s23 =	simm.s32 $0x2080;
	s28 =	simm.s32 $0x4080;
	s29 =	simm.s32 $0x4880  }
0x5: {  	s30 =	simm.s32 $0x5080;
	s31 =	simm.s32 $0x5880;
	s11 =	simm.s32 $0x7880  }
0x6: {  	s12 =	simm.s32 $0x8080;
	s13 =	simm.s32 $0x8880;
	s14 =	simm.s32 $0x9080  }
0x7: {  	s15 =	simm.s32 $0x9880;
	s16 =	simm.s32 $0xA080;
	s17 =	simm.s32 $0xA880  }
0x8: {  	s1 =	sand.u32 $0x1, s1;
	[smem:$0x7FF] =	sst s2;
	s3 =	sshll.u32 s3, $0x8  }
0x9: {  	s6 =	sadd.s32 $0x800, s0;
	s8 =	sadd.s32 $0xA00, s0;
	s4 =	sshll.u32 s1, $0x7  }
0xa: {  	_ =	strace $0x80000047;
	s1 =	ssub.s32 $0x2, s1;
	s5 =	sor.u32 s4, s3  }
0xb: {  	s3 =	sadd.s32 $0x601000, s0;
	s7 =	sshrl.u32 s1, $0x1;
	s4 =	sshrl.u32 s5, $0x3  }
0xc: {  	s1 =	ssub.s32 s1, s7;
	s24 =	sshll.u32 s5, $0x7;
	s9 =	sor.u32 $0x40, s5  }
0xd: {  	s5 =	sadd.s32 $0x601200, s0;
	s4 =	sadd.s32 s6, s4;
	s7 =	sadd.s32 s8, s24  }
0xe: {  	s10 =	sshrl.u32 s9, $0x3;
	s9 =	sshll.u32 s9, $0x7;
	[dreg:$0x2] =	wrdreg s4  }
0xf: {  	s24 =	simm.s32 $0x2880;
	s4 =	sadd.s32 $0x601100, s0;
	[dreg:$0x3] =	wrdreg s7  }
0x10: {  	s25 =	sadd.s32 s6, s10;
	s6 =	sadd.s32 $0x601300, s0;
	s26 =	sadd.s32 s8, s9  }
0x11: {  	v2 =	vlaneseq.u32;
	s7 =	smax.u32 s1, $0x1;
	s8 =	simm.s32 $0x2;
	s0 =	simm.s32 $0x80  }
0x12: {  	vm0 =	vmmov $0xffff;
	v1 =	vshrl.u32 v2, $0x3;
	s10 =	simm.s32 $0x7080;
	s9 =	simm.s32 $0xB080;
	[dreg:$0x4] =	wrdreg s25  }
0x13: {  	v0 =	vand.u32 $0x7, v2;
	v2 =	vor.u32 $0x8, v2;
	v1 =	vmul.u32 $0x8, v1;
	[dreg:$0x5] =	wrdreg s26;
	s25 =	simm.s32 $0x3080;
	s26 =	simm.s32 $0x3880  }
.LBB2_1:
0x14: {  	s19 =	rddreg [dreg:$0x2]  }
0x15: {  	[tilespmem:s2], [sflag:$0x2] =	stream.linear.gather [hbm4b:s19+s2], $0x40, $0x38;
	[tilespmem:$0x10080] =	vst v63  }
0x16: {  	_ =	swait.ge [sflag:s8], $0x40  }
0x17: {  	[sflag:s8] =	ssyncset.done $0x0  }
0x18: {  	[sflag:s8] =	ssyncadd.s32 $0xFFFFFFC0  }
0x19: {  	v3 =	vld [tilespmem:$0x0];
	_ =	sdelay $0x4  }
0x1a: {  	v4 =	vshll.u32 v3, $0x3  }
0x1b: {  	v3 =	vand.u32 $0x7, v3;
	v4 =	vand.u32 $0xFFFFFFC0, v4  }
0x1c: {  	v3 =	vor.u32 v3, v4  }
0x1d: {  	v4 =	vperm.xlane v3, v0;
	_ =	sdelay $0x1  }
0x1e: {  	v4 =	vadd.s32 v1, v4;
	_ =	sdelay $0x4  }
0x1f: {  	[tilespmem:s0], [sflag:$0x1] =	stream.indirect_vreg.gather [hbm4b:s3+s2], $0x80, v4, vm0, $0xb8;
	[tilespmem:$0x10080] =	vst v63  }
0x20: {  	v3 =	vperm.xlane v3, v2  }
0x21: {  	[tilespmem:s20], [sflag:$0x1] =	stream.indirect_vreg.gather [hbm4b:s4+s2], $0x80, v4, vm0, $0xb8;
	[tilespmem:$0x10080] =	vst v63  }
0x22: {  	v3 =	vadd.s32 v1, v3  }
0x23: {  	[tilespmem:s21], [sflag:$0x1] =	stream.indirect_vreg.gather [hbm4b:s5+s2], $0x80, v4, vm0, $0xb8;
	[tilespmem:$0x10080] =	vst v63  }
0x24: {  	_ = 	snop  }
0x25: {  	[tilespmem:s22], [sflag:$0x1] =	stream.indirect_vreg.gather [hbm4b:s6+s2], $0x80, v4, vm0, $0xb8;
	[tilespmem:$0x10080] =	vst v63  }
0x26: {  	_ = 	snop  }
0x27: {  	[tilespmem:s23], [sflag:$0x1] =	stream.indirect_vreg.gather [hbm4b:s3+s2], $0x80, v3, vm0, $0xb8;
	[tilespmem:$0x10080] =	vst v63  }
0x28: {  	_ = 	snop  }
0x29: {  	[tilespmem:s24], [sflag:$0x1] =	stream.indirect_vreg.gather [hbm4b:s4+s2], $0x80, v3, vm0, $0xb8;
	[tilespmem:$0x10080] =	vst v63  }
0x2a: {  	_ = 	snop  }
0x2b: {  	[tilespmem:s25], [sflag:$0x1] =	stream.indirect_vreg.gather [hbm4b:s5+s2], $0x80, v3, vm0, $0xb8;
	[tilespmem:$0x10080] =	vst v63  }
0x2c: {  	_ = 	snop  }
0x2d: {  	[tilespmem:s26], [sflag:$0x1] =	stream.indirect_vreg.gather [hbm4b:s6+s2], $0x80, v3, vm0, $0xb8;
	[tilespmem:$0x10080] =	vst v63  }
0x2e: {  	v3 =	vld [tilespmem:$0x10];
	_ =	sdelay $0x4  }
0x2f: {  	v57 =	vshll.u32 v3, $0x3  }
0x30: {  	v3 =	vand.u32 $0x7, v3;
	v4 =	vand.u32 $0xFFFFFFC0, v57  }
0x31: {  	v3 =	vor.u32 v3, v4  }
0x32: {  	v4 =	vperm.xlane v3, v0;
	_ =	sdelay $0x1  }
0x33: {  	v4 =	vadd.s32 v1, v4;
	_ =	sdelay $0x4  }
0x34: {  	[tilespmem:s28], [sflag:$0x1] =	stream.indirect_vreg.gather [hbm4b:s3+s2], $0x80, v4, vm0, $0xb8;
	[tilespmem:$0x10080] =	vst v63  }
0x35: {  	v3 =	vperm.xlane v3, v2  }
0x36: {  	[tilespmem:s29], [sflag:$0x1] =	stream.indirect_vreg.gather [hbm4b:s4+s2], $0x80, v4, vm0, $0xb8;
	[tilespmem:$0x10080] =	vst v63  }
0x37: {  	v3 =	vadd.s32 v1, v3  }
0x38: {  	[tilespmem:s30], [sflag:$0x1] =	stream.indirect_vreg.gather [hbm4b:s5+s2], $0x80, v4, vm0, $0xb8;
	[tilespmem:$0x10080] =	vst v63  }
0x39: {  	_ = 	snop  }
0x3a: {  	[tilespmem:s31], [sflag:$0x1] =	stream.indirect_vreg.gather [hbm4b:s6+s2], $0x80, v4, vm0, $0xb8;
	[tilespmem:$0x10080] =	vst v63  }
0x3b: {  	s1 =	simm.s32 $0x6080  }
0x3c: {  	[tilespmem:s1], [sflag:$0x1] =	stream.indirect_vreg.gather [hbm4b:s3+s2], $0x80, v3, vm0, $0xb8;
	[tilespmem:$0x10080] =	vst v63  }
0x3d: {  	s1 =	simm.s32 $0x6880  }
0x3e: {  	[tilespmem:s1], [sflag:$0x1] =	stream.indirect_vreg.gather [hbm4b:s4+s2], $0x80, v3, vm0, $0xb8;
	[tilespmem:$0x10080] =	vst v63  }
0x3f: {  	_ = 	snop  }
0x40: {  	[tilespmem:s10], [sflag:$0x1] =	stream.indirect_vreg.gather [hbm4b:s5+s2], $0x80, v3, vm0, $0xb8;
	[tilespmem:$0x10080] =	vst v63  }
0x41: {  	_ = 	snop  }
0x42: {  	[tilespmem:s11], [sflag:$0x1] =	stream.indirect_vreg.gather [hbm4b:s6+s2], $0x80, v3, vm0, $0xb8;
	[tilespmem:$0x10080] =	vst v63  }
0x43: {  	v3 =	vld [tilespmem:$0x20];
	_ =	sdelay $0x4  }
0x44: {  	v58 =	vshll.u32 v3, $0x3  }
0x45: {  	v3 =	vand.u32 $0x7, v3;
	v4 =	vand.u32 $0xFFFFFFC0, v58  }
0x46: {  	v3 =	vor.u32 v3, v4  }
0x47: {  	v4 =	vperm.xlane v3, v0;
	_ =	sdelay $0x1  }
0x48: {  	v4 =	vadd.s32 v1, v4;
	_ =	sdelay $0x4  }
0x49: {  	[tilespmem:s12], [sflag:$0x1] =	stream.indirect_vreg.gather [hbm4b:s3+s2], $0x80, v4, vm0, $0xb8;
	[tilespmem:$0x10080] =	vst v63  }
0x4a: {  	v3 =	vperm.xlane v3, v2  }
0x4b: {  	[tilespmem:s13], [sflag:$0x1] =	stream.indirect_vreg.gather [hbm4b:s4+s2], $0x80, v4, vm0, $0xb8;
	[tilespmem:$0x10080] =	vst v63  }
0x4c: {  	v3 =	vadd.s32 v1, v3  }
0x4d: {  	[tilespmem:s14], [sflag:$0x1] =	stream.indirect_vreg.gather [hbm4b:s5+s2], $0x80, v4, vm0, $0xb8;
	[tilespmem:$0x10080] =	vst v63  }
0x4e: {  	_ = 	snop  }
0x4f: {  	[tilespmem:s15], [sflag:$0x1] =	stream.indirect_vreg.gather [hbm4b:s6+s2], $0x80, v4, vm0, $0xb8;
	[tilespmem:$0x10080] =	vst v63  }
0x50: {  	_ = 	snop  }
0x51: {  	[tilespmem:s16], [sflag:$0x1] =	stream.indirect_vreg.gather [hbm4b:s3+s2], $0x80, v3, vm0, $0xb8;
	[tilespmem:$0x10080] =	vst v63  }
0x52: {  	_ = 	snop  }
0x53: {  	[tilespmem:s17], [sflag:$0x1] =	stream.indirect_vreg.gather [hbm4b:s4+s2], $0x80, v3, vm0, $0xb8;
	[tilespmem:$0x10080] =	vst v63  }
0x54: {  	_ = 	snop  }
0x55: {  	[tilespmem:s9], [sflag:$0x1] =	stream.indirect_vreg.gather [hbm4b:s5+s2], $0x80, v3, vm0, $0xb8;
	[tilespmem:$0x10080] =	vst v63  }
0x56: {  	s19 =	simm.s32 $0xB880  }
0x57: {  	[tilespmem:s19], [sflag:$0x1] =	stream.indirect_vreg.gather [hbm4b:s6+s2], $0x80, v3, vm0, $0xb8;
	[tilespmem:$0x10080] =	vst v63  }
0x58: {  	v3 =	vld [tilespmem:$0x30];
	_ =	sdelay $0x4  }
0x59: {  	v59 =	vshll.u32 v3, $0x3  }
0x5a: {  	v3 =	vand.u32 $0x7, v3;
	v4 =	vand.u32 $0xFFFFFFC0, v59  }
0x5b: {  	v3 =	vor.u32 v3, v4  }
0x5c: {  	v4 =	vperm.xlane v3, v0;
	_ =	sdelay $0x1  }
0x5d: {  	v4 =	vadd.s32 v1, v4;
	_ =	sdelay $0x3  }
0x5e: {  	s19 =	simm.s32 $0xC080  }
0x5f: {  	[tilespmem:s19], [sflag:$0x1] =	stream.indirect_vreg.gather [hbm4b:s3+s2], $0x80, v4, vm0, $0xb8;
	[tilespmem:$0x10080] =	vst v63  }
0x60: {  	v3 =	vperm.xlane v3, v2;
	s19 =	simm.s32 $0xC880  }
0x61: {  	[tilespmem:s19], [sflag:$0x1] =	stream.indirect_vreg.gather [hbm4b:s4+s2], $0x80, v4, vm0, $0xb8;
	[tilespmem:$0x10080] =	vst v63  }
0x62: {  	v3 =	vadd.s32 v1, v3;
	s19 =	simm.s32 $0xD080  }
0x63: {  	[tilespmem:s19], [sflag:$0x1] =	stream.indirect_vreg.gather [hbm4b:s5+s2], $0x80, v4, vm0, $0xb8;
	[tilespmem:$0x10080] =	vst v63  }
0x64: {  	s19 =	simm.s32 $0xD880  }
0x65: {  	[tilespmem:s19], [sflag:$0x1] =	stream.indirect_vreg.gather [hbm4b:s6+s2], $0x80, v4, vm0, $0xb8;
	[tilespmem:$0x10080] =	vst v63  }
0x66: {  	s19 =	simm.s32 $0xE080  }
0x67: {  	[tilespmem:s19], [sflag:$0x1] =	stream.indirect_vreg.gather [hbm4b:s3+s2], $0x80, v3, vm0, $0xb8;
	[tilespmem:$0x10080] =	vst v63  }
0x68: {  	s19 =	simm.s32 $0xE880  }
0x69: {  	[tilespmem:s19], [sflag:$0x1] =	stream.indirect_vreg.gather [hbm4b:s4+s2], $0x80, v3, vm0, $0xb8;
	[tilespmem:$0x10080] =	vst v63  }
0x6a: {  	s19 =	simm.s32 $0xF080  }
0x6b: {  	[tilespmem:s19], [sflag:$0x1] =	stream.indirect_vreg.gather [hbm4b:s5+s2], $0x80, v3, vm0, $0xb8;
	[tilespmem:$0x10080] =	vst v63  }
0x6c: {  	s19 =	simm.s32 $0xF880  }
0x6d: {  	[tilespmem:s19], [sflag:$0x1] =	stream.indirect_vreg.gather [hbm4b:s6+s2], $0x80, v3, vm0, $0xb8;
	[tilespmem:$0x10080] =	vst v63  }
0x6e: {  	_ =	swait.ge [sflag:s18], $0x10000  }
0x6f: {  	[sflag:s18] =	ssyncset.done $0x0  }
0x70: {  	s19 =	rddreg [dreg:$0x3];
	[sflag:s18] =	ssyncadd.s32 $0xFFFF0000  }
0x71: {  	[hbm4b:s19+s2] =	stream.linear.scatter [tilespmem:s0], [sflag:$0x2], $0x10000, $0x38;
	[tilespmem:$0x10080] =	vst v63  }
0x72: {  	_ =	swait.ge [sflag:s8], $0x10000  }
0x73: {  	[sflag:s8] =	ssyncset.done $0x0  }
0x74: {  	s19 =	rddreg [dreg:$0x4];
	[sflag:s8] =	ssyncadd.s32 $0xFFFF0000  }
0x75: {  	[tilespmem:s2], [sflag:$0x2] =	stream.linear.gather [hbm4b:s19+s2], $0x40, $0x38;
	[tilespmem:$0x10080] =	vst v63  }
0x76: {  	_ =	swait.ge [sflag:s8], $0x40  }
0x77: {  	[sflag:s8] =	ssyncset.done $0x0  }
0x78: {  	[sflag:s8] =	ssyncadd.s32 $0xFFFFFFC0  }
0x79: {  	v3 =	vld [tilespmem:$0x0];
	_ =	sdelay $0x4  }
0x7a: {  	v60 =	vshll.u32 v3, $0x3  }
0x7b: {  	v3 =	vand.u32 $0x7, v3;
	v4 =	vand.u32 $0xFFFFFFC0, v60  }
0x7c: {  	v3 =	vor.u32 v3, v4  }
0x7d: {  	v4 =	vperm.xlane v3, v0;
	_ =	sdelay $0x1  }
0x7e: {  	v4 =	vadd.s32 v1, v4;
	_ =	sdelay $0x4  }
0x7f: {  	[tilespmem:s0], [sflag:$0x1] =	stream.indirect_vreg.gather [hbm4b:s3+s2], $0x80, v4, vm0, $0xb8;
	[tilespmem:$0x10080] =	vst v63  }
0x80: {  	v3 =	vperm.xlane v3, v2  }
0x81: {  	[tilespmem:s20], [sflag:$0x1] =	stream.indirect_vreg.gather [hbm4b:s4+s2], $0x80, v4, vm0, $0xb8;
	[tilespmem:$0x10080] =	vst v63  }
0x82: {  	v3 =	vadd.s32 v1, v3  }
0x83: {  	[tilespmem:s21], [sflag:$0x1] =	stream.indirect_vreg.gather [hbm4b:s5+s2], $0x80, v4, vm0, $0xb8;
	[tilespmem:$0x10080] =	vst v63  }
0x84: {  	_ = 	snop  }
0x85: {  	[tilespmem:s22], [sflag:$0x1] =	stream.indirect_vreg.gather [hbm4b:s6+s2], $0x80, v4, vm0, $0xb8;
	[tilespmem:$0x10080] =	vst v63  }
0x86: {  	_ = 	snop  }
0x87: {  	[tilespmem:s23], [sflag:$0x1] =	stream.indirect_vreg.gather [hbm4b:s3+s2], $0x80, v3, vm0, $0xb8;
	[tilespmem:$0x10080] =	vst v63  }
0x88: {  	_ = 	snop  }
0x89: {  	[tilespmem:s24], [sflag:$0x1] =	stream.indirect_vreg.gather [hbm4b:s4+s2], $0x80, v3, vm0, $0xb8;
	[tilespmem:$0x10080] =	vst v63  }
0x8a: {  	_ = 	snop  }
0x8b: {  	[tilespmem:s25], [sflag:$0x1] =	stream.indirect_vreg.gather [hbm4b:s5+s2], $0x80, v3, vm0, $0xb8;
	[tilespmem:$0x10080] =	vst v63  }
0x8c: {  	_ = 	snop  }
0x8d: {  	[tilespmem:s26], [sflag:$0x1] =	stream.indirect_vreg.gather [hbm4b:s6+s2], $0x80, v3, vm0, $0xb8;
	[tilespmem:$0x10080] =	vst v63  }
0x8e: {  	v3 =	vld [tilespmem:$0x10];
	_ =	sdelay $0x4  }
0x8f: {  	v61 =	vshll.u32 v3, $0x3  }
0x90: {  	v3 =	vand.u32 $0x7, v3;
	v4 =	vand.u32 $0xFFFFFFC0, v61  }
0x91: {  	v3 =	vor.u32 v3, v4  }
0x92: {  	v4 =	vperm.xlane v3, v0;
	_ =	sdelay $0x1  }
0x93: {  	v4 =	vadd.s32 v1, v4;
	_ =	sdelay $0x4  }
0x94: {  	[tilespmem:s28], [sflag:$0x1] =	stream.indirect_vreg.gather [hbm4b:s3+s2], $0x80, v4, vm0, $0xb8;
	[tilespmem:$0x10080] =	vst v63  }
0x95: {  	v3 =	vperm.xlane v3, v2  }
0x96: {  	[tilespmem:s29], [sflag:$0x1] =	stream.indirect_vreg.gather [hbm4b:s4+s2], $0x80, v4, vm0, $0xb8;
	[tilespmem:$0x10080] =	vst v63  }
0x97: {  	v3 =	vadd.s32 v1, v3  }
0x98: {  	[tilespmem:s30], [sflag:$0x1] =	stream.indirect_vreg.gather [hbm4b:s5+s2], $0x80, v4, vm0, $0xb8;
	[tilespmem:$0x10080] =	vst v63  }
0x99: {  	_ = 	snop  }
0x9a: {  	[tilespmem:s31], [sflag:$0x1] =	stream.indirect_vreg.gather [hbm4b:s6+s2], $0x80, v4, vm0, $0xb8;
	[tilespmem:$0x10080] =	vst v63  }
0x9b: {  	s19 =	simm.s32 $0x6080  }
0x9c: {  	[tilespmem:s19], [sflag:$0x1] =	stream.indirect_vreg.gather [hbm4b:s3+s2], $0x80, v3, vm0, $0xb8;
	[tilespmem:$0x10080] =	vst v63  }
0x9d: {  	_ = 	snop  }
0x9e: {  	[tilespmem:s1], [sflag:$0x1] =	stream.indirect_vreg.gather [hbm4b:s4+s2], $0x80, v3, vm0, $0xb8;
	[tilespmem:$0x10080] =	vst v63  }
0x9f: {  	_ = 	snop  }
0xa0: {  	[tilespmem:s10], [sflag:$0x1] =	stream.indirect_vreg.gather [hbm4b:s5+s2], $0x80, v3, vm0, $0xb8;
	[tilespmem:$0x10080] =	vst v63  }
0xa1: {  	_ = 	snop  }
0xa2: {  	[tilespmem:s11], [sflag:$0x1] =	stream.indirect_vreg.gather [hbm4b:s6+s2], $0x80, v3, vm0, $0xb8;
	[tilespmem:$0x10080] =	vst v63  }
0xa3: {  	v3 =	vld [tilespmem:$0x20];
	_ =	sdelay $0x4  }
0xa4: {  	v62 =	vshll.u32 v3, $0x3  }
0xa5: {  	v3 =	vand.u32 $0x7, v3;
	v4 =	vand.u32 $0xFFFFFFC0, v62  }
0xa6: {  	v3 =	vor.u32 v3, v4  }
0xa7: {  	v4 =	vperm.xlane v3, v0;
	_ =	sdelay $0x1  }
0xa8: {  	v4 =	vadd.s32 v1, v4;
	_ =	sdelay $0x4  }
0xa9: {  	[tilespmem:s12], [sflag:$0x1] =	stream.indirect_vreg.gather [hbm4b:s3+s2], $0x80, v4, vm0, $0xb8;
	[tilespmem:$0x10080] =	vst v63  }
0xaa: {  	v3 =	vperm.xlane v3, v2  }
0xab: {  	[tilespmem:s13], [sflag:$0x1] =	stream.indirect_vreg.gather [hbm4b:s4+s2], $0x80, v4, vm0, $0xb8;
	[tilespmem:$0x10080] =	vst v63  }
0xac: {  	v3 =	vadd.s32 v1, v3  }
0xad: {  	[tilespmem:s14], [sflag:$0x1] =	stream.indirect_vreg.gather [hbm4b:s5+s2], $0x80, v4, vm0, $0xb8;
	[tilespmem:$0x10080] =	vst v63  }
0xae: {  	_ = 	snop  }
0xaf: {  	[tilespmem:s15], [sflag:$0x1] =	stream.indirect_vreg.gather [hbm4b:s6+s2], $0x80, v4, vm0, $0xb8;
	[tilespmem:$0x10080] =	vst v63  }
0xb0: {  	_ = 	snop  }
0xb1: {  	[tilespmem:s16], [sflag:$0x1] =	stream.indirect_vreg.gather [hbm4b:s3+s2], $0x80, v3, vm0, $0xb8;
	[tilespmem:$0x10080] =	vst v63  }
0xb2: {  	_ = 	snop  }
0xb3: {  	[tilespmem:s17], [sflag:$0x1] =	stream.indirect_vreg.gather [hbm4b:s4+s2], $0x80, v3, vm0, $0xb8;
	[tilespmem:$0x10080] =	vst v63  }
0xb4: {  	_ = 	snop  }
0xb5: {  	[tilespmem:s9], [sflag:$0x1] =	stream.indirect_vreg.gather [hbm4b:s5+s2], $0x80, v3, vm0, $0xb8;
	[tilespmem:$0x10080] =	vst v63  }
0xb6: {  	s19 =	simm.s32 $0xB880  }
0xb7: {  	[tilespmem:s19], [sflag:$0x1] =	stream.indirect_vreg.gather [hbm4b:s6+s2], $0x80, v3, vm0, $0xb8;
	[tilespmem:$0x10080] =	vst v63  }
0xb8: {  	v3 =	vld [tilespmem:$0x30];
	_ =	sdelay $0x4  }
0xb9: {  	v63 =	vshll.u32 v3, $0x3  }
0xba: {  	v3 =	vand.u32 $0x7, v3;
	v4 =	vand.u32 $0xFFFFFFC0, v63  }
0xbb: {  	v3 =	vor.u32 v3, v4  }
0xbc: {  	v4 =	vperm.xlane v3, v0;
	_ =	sdelay $0x1  }
0xbd: {  	v4 =	vadd.s32 v1, v4;
	_ =	sdelay $0x3  }
0xbe: {  	s19 =	simm.s32 $0xC080  }
0xbf: {  	[tilespmem:s19], [sflag:$0x1] =	stream.indirect_vreg.gather [hbm4b:s3+s2], $0x80, v4, vm0, $0xb8;
	[tilespmem:$0x10080] =	vst v63  }
0xc0: {  	v3 =	vperm.xlane v3, v2;
	s19 =	simm.s32 $0xC880  }
0xc1: {  	[tilespmem:s19], [sflag:$0x1] =	stream.indirect_vreg.gather [hbm4b:s4+s2], $0x80, v4, vm0, $0xb8;
	[tilespmem:$0x10080] =	vst v63  }
0xc2: {  	v3 =	vadd.s32 v1, v3;
	s19 =	simm.s32 $0xD080  }
0xc3: {  	[tilespmem:s19], [sflag:$0x1] =	stream.indirect_vreg.gather [hbm4b:s5+s2], $0x80, v4, vm0, $0xb8;
	[tilespmem:$0x10080] =	vst v63  }
0xc4: {  	s19 =	simm.s32 $0xD880  }
0xc5: {  	[tilespmem:s19], [sflag:$0x1] =	stream.indirect_vreg.gather [hbm4b:s6+s2], $0x80, v4, vm0, $0xb8;
	[tilespmem:$0x10080] =	vst v63  }
0xc6: {  	s19 =	simm.s32 $0xE080  }
0xc7: {  	[tilespmem:s19], [sflag:$0x1] =	stream.indirect_vreg.gather [hbm4b:s3+s2], $0x80, v3, vm0, $0xb8;
	[tilespmem:$0x10080] =	vst v63  }
0xc8: {  	s19 =	simm.s32 $0xE880  }
0xc9: {  	[tilespmem:s19], [sflag:$0x1] =	stream.indirect_vreg.gather [hbm4b:s4+s2], $0x80, v3, vm0, $0xb8;
	[tilespmem:$0x10080] =	vst v63  }
0xca: {  	s19 =	simm.s32 $0xF080  }
0xcb: {  	[tilespmem:s19], [sflag:$0x1] =	stream.indirect_vreg.gather [hbm4b:s5+s2], $0x80, v3, vm0, $0xb8;
	[tilespmem:$0x10080] =	vst v63  }
0xcc: {  	s19 =	simm.s32 $0xF880  }
0xcd: {  	[tilespmem:s19], [sflag:$0x1] =	stream.indirect_vreg.gather [hbm4b:s6+s2], $0x80, v3, vm0, $0xb8;
	[tilespmem:$0x10080] =	vst v63  }
0xce: {  	_ =	swait.ge [sflag:s18], $0x10000  }
0xcf: {  	p0 =	sne.s32 s7, $0x1;
	[sflag:s18] =	ssyncset.done $0x0  }
.Ltmp0:
0xd0: {  	s1 =	rddreg [dreg:$0x5];
	[sflag:s18] =	ssyncadd.s32 $0xFFFF0000;
	(pc) =	sbr.rel @p0 .LBB2_1-.Ltmp0, $4  }
0xd1: {  	[hbm4b:s1+s2] =	stream.linear.scatter [tilespmem:s0], [sflag:$0x2], $0x10000, $0x38;
	[tilespmem:$0x10080] =	vst v63  }
0xd2: {  	_ =	swait.ge [sflag:s8], $0x10000  }
0xd3: {  	[sflag:s8] =	ssyncset.done $0x0  }
0xd4: {  	s7 =	sadd.s32 $0xFFFFFFFF, s7;
	[sflag:s8] =	ssyncadd.s32 $0xFFFF0000  }
0xd5: {  	_ =	sfence.sel $0x180000  }
0xd6: {  	[bflag:$0x0] =	sbarrier.arrive $0xFFFF  }
0xd7: {  	_ =	strace $0x90000047  }
0xd8: {  	s0 =	stileid.u32;
	[bflag:$0x2] =	sbarrier.arrive $0xFFFF  }
0xd9: {  	p0 =	sne.s32 s0, $0x0;
	s0 =	rddreg [dreg:$0x1]  }
0xda: {  	s0 =	sadd.s32 @!p0 $0x100000, s0  }
0xdb: {  	[sflag:s0] =	ssyncadd.tile.s32 @!p0 $0x1;
	_ =	shalt  }
.Lfunc_end2:
_tile_overlayer_lowered:
.L_overlay_start_2:
0xdc: {  	(tag) =	ssettag $0x2  }
0xdd: {  	s0 =	rddreg [dreg:$0x0];
	s2 =	stileid.u32  }
0xde: {  	s1 =	rddreg [dreg:$0x1];
	p0 =	sne.s32 s2, $0x0  }
0xdf: {  	s3 =	rddreg [dreg:$0x2];
	[bflag:$0x3] =	sbarrier.arrive $0xFFFF;
	s2 =	simm.s32 @!p0 $0x1C02  }
0xe0: {  	[timem:s3], [sflag:s2] =	dma.local @!p0 [hbm:s0], s1  }
0xe1: {  	s0 =	simm.s32 @!p0 $0x2  }
0xe2: {  	_ =	swait.ge @!p0 [sflag:s0], s1  }
0xe3: {  	s1 =	ssub.s32 @!p0 $0x0, s1;
	[sflag:s0] =	ssyncset.done @!p0 $0x0  }
0xe4: {  	[sflag:s0] =	ssyncadd.s32 @!p0 s1  }
0xe5: {  	[bflag:$0x3] =	sbarrier.arrive $0xFFFF  }
0xe6: {  	_ =	shalt  }

</sc_bundles>
